<compile_context>
chip_gen: v7x
topology: tpu7x:2x2x1
jax: 0.10.2.dev20260603
libtpu: 0.0.44.dev20260713+nightly
codegen_flags: <defaults>
</compile_context>

<pallas_src>
import functools

import jax
import jax.numpy as jnp
from jax import lax
from jax.experimental import pallas as pl
from jax.experimental.pallas import tpu as pltpu
from jax.experimental.pallas import tpu_sc as plsc



def _sc_gather_rows(table, gidx):
    p, c = gidx.shape[0], table.shape[1]
    nw = 32
    b_per_w = p // nw
    mesh = plsc.VectorSubcoreMesh(core_axis_name="c", subcore_axis_name="s")

    @functools.partial(
        pl.kernel,
        mesh=mesh,
        out_type=jax.ShapeDtypeStruct((p, c), jnp.float32),
        scratch_types=[
            pltpu.VMEM((b_per_w,), jnp.int32),
            pltpu.VMEM((b_per_w, c), jnp.float32),
            pltpu.SemaphoreType.DMA,
        ],
    )
    def k(table_hbm, idx_hbm, out_hbm, idx_v, rows_v, sem):
        wid = lax.axis_index("s") * 2 + lax.axis_index("c")
        base = wid * b_per_w
        pltpu.sync_copy(idx_hbm.at[pl.ds(base, b_per_w)], idx_v)
        pltpu.async_copy(table_hbm.at[idx_v], rows_v, sem).wait()
        pltpu.sync_copy(rows_v, out_hbm.at[pl.ds(base, b_per_w)])

    return k(table, gidx)



def _match_one(s, t):
    st = jax.lax.dot_general(
        s.astype(jnp.bfloat16), t.astype(jnp.bfloat16),
        (((1,), (1,)), ((), ())), preferred_element_type=jnp.float32
    )
    s2 = jnp.sum(s * s, axis=1, keepdims=True)
    t2 = jnp.sum(t * t, axis=1, keepdims=True)
    d2 = (s2 + t2.T) - 2.0 * st
    return jnp.argmin(d2, axis=1)


def _nn_match_kernel(s3_ref, t3_ref, s4_ref, t4_ref, idx3_ref, idx4_ref):
    idx3_ref[0, 0] = _match_one(s3_ref[0], t3_ref[0])
    idx4_ref[0, 0] = _match_one(s4_ref[0], t4_ref[0])


def _nn_concat_pair(s3f, t3f, s4f, t4f):
    b, c3, h3, w3 = s3f.shape
    _, c4, h4, w4 = s4f.shape
    n3, n4 = h3 * w3, h4 * w4
    s3 = s3f.reshape(b, c3, n3).transpose(0, 2, 1)
    t3 = t3f.reshape(b, c3, n3).transpose(0, 2, 1)
    s4 = s4f.reshape(b, c4, n4).transpose(0, 2, 1)
    t4 = t4f.reshape(b, c4, n4).transpose(0, 2, 1)
    idx3, idx4 = pl.pallas_call(
        _nn_match_kernel,
        grid=(b,),
        in_specs=[
            pl.BlockSpec((1, n3, c3), lambda i: (i, 0, 0)),
            pl.BlockSpec((1, n3, c3), lambda i: (i, 0, 0)),
            pl.BlockSpec((1, n4, c4), lambda i: (i, 0, 0)),
            pl.BlockSpec((1, n4, c4), lambda i: (i, 0, 0)),
        ],
        out_specs=[
            pl.BlockSpec((1, 1, n3), lambda i: (i, 0, 0)),
            pl.BlockSpec((1, 1, n4), lambda i: (i, 0, 0)),
        ],
        out_shape=[
            jax.ShapeDtypeStruct((b, 1, n3), jnp.int32),
            jax.ShapeDtypeStruct((b, 1, n4), jnp.int32),
        ],
    )(s3, t3, s4, t4)
    assert c4 == 2 * c3
    r3 = b * n3
    table = jnp.concatenate(
        [t3.reshape(r3, c3), t4.reshape(b * n4 * 2, c3)], axis=0
    )
    boff3 = n3 * jnp.arange(b, dtype=jnp.int32)[:, None]
    boff4 = n4 * jnp.arange(b, dtype=jnp.int32)[:, None]
    g3 = (idx3.reshape(b, n3) + boff3).reshape(r3)
    g4 = (idx4.reshape(b, n4) + boff4).reshape(b * n4)
    g4 = r3 + 2 * g4
    g4 = jnp.stack([g4, g4 + 1], axis=-1).reshape(2 * b * n4)
    total = r3 + 2 * b * n4
    p = -(-total // 256) * 256
    gidx = jnp.pad(jnp.concatenate([g3, g4]), (0, p - total))
    rows = _sc_gather_rows(table, gidx)
    near3 = rows[:r3].reshape(b, n3, c3).transpose(0, 2, 1).reshape(b, c3, h3, w3)
    near4 = rows[r3:total].reshape(b, n4, c4).transpose(0, 2, 1).reshape(b, c4, h4, w4)
    return (jnp.concatenate([s3f, near3], axis=1),
            jnp.concatenate([s4f, near4], axis=1))



def _conv2d(x, w, b):
    y = jax.lax.conv_general_dilated(
        x, w, (1, 1), 'VALID', dimension_numbers=('NCHW', 'OIHW', 'NCHW')
    )
    return y + b[None, :, None, None]


def _conv_t2(x, w, b):
    y = jax.lax.conv_transpose(
        x, w, (2, 2), 'VALID', dimension_numbers=('NCHW', 'OIHW', 'NCHW')
    )
    return y + b[None, :, None, None]


def _bn(x, g, be):
    m = jnp.mean(x, axis=(0, 2, 3), keepdims=True)
    v = jnp.var(x, axis=(0, 2, 3), keepdims=True)
    return (x - m) / jnp.sqrt(v + 1e-5) * g[None, :, None, None] + be[None, :, None, None]


def _maxpool2(x):
    return jax.lax.reduce_window(
        x, -jnp.inf, jax.lax.max, (1, 1, 2, 2), (1, 1, 2, 2), 'VALID'
    )


def _enc_block(x, p):
    x = jax.nn.relu(_bn(_conv2d(x, p['w1'], p['b1']), p['g1'], p['be1']))
    x = jax.nn.relu(_bn(_conv2d(x, p['w2'], p['b2']), p['g2'], p['be2']))
    return _maxpool2(x)


def _dec_block(x, p):
    x = jax.nn.relu(_bn(_conv2d(x, p['w1'], p['b1']), p['g1'], p['be1']))
    x = jax.nn.relu(_bn(_conv2d(x, p['w2'], p['b2']), p['g2'], p['be2']))
    return _conv_t2(x, p['wt'], p['bt'])


def kernel(src_img, tar_img, params):
    s1 = _enc_block(src_img, params['enc1'])
    s2 = _enc_block(s1, params['enc2'])
    s3 = _enc_block(s2, params['enc3'])
    s4 = _enc_block(s3, params['enc4'])
    t1 = _enc_block(tar_img, params['enc1'])
    t2 = _enc_block(t1, params['enc2'])
    t3 = _enc_block(t2, params['enc3'])
    t4 = _enc_block(t3, params['enc4'])
    c3, c4 = _nn_concat_pair(s3, t3, s4, t4)
    c4u = jax.image.resize(
        c4, (c4.shape[0], c4.shape[1], c3.shape[2], c3.shape[3]), method='bilinear'
    )
    d = _dec_block(jnp.concatenate([c3, c4u], axis=1), params['dec3'])
    d = _dec_block(d, params['dec2'])
    d = _conv2d(d, params['dec1']['w'], params['dec1']['b'])
    pred = jax.image.resize(
        d, (d.shape[0], d.shape[1], src_img.shape[2], src_img.shape[3]),
        method='bilinear',
    )
    return pred

# --- scband reference (transcript-rebuilt; emitter-appended) ---
"""Pipeline reference for scband-matcher-57861799411981 (READ-ONLY COPY).

The authoritative reference and input builder live on the scoring server;
editing this copy changes nothing except your own understanding.
"""

import jax, jax.numpy as jnp
import numpy as np


def conv2d(x, w, b):
    y = jax.lax.conv_general_dilated(x, w, (1, 1), 'VALID', dimension_numbers=('NCHW', 'OIHW', 'NCHW'))
    return y + b[None, :, None, None]


def conv_t2(x, w, b):
    y = jax.lax.conv_transpose(x, w, (2, 2), 'VALID', dimension_numbers=('NCHW', 'OIHW', 'NCHW'))
    return y + b[None, :, None, None]


def bn(x, g, be):
    m = jnp.mean(x, axis=(0, 2, 3), keepdims=True)
    v = jnp.var(x, axis=(0, 2, 3), keepdims=True)
    return (x - m) / jnp.sqrt(v + 1e-5) * g[None, :, None, None] + be[None, :, None, None]


def maxpool2(x):
    return jax.lax.reduce_window(x, -jnp.inf, jax.lax.max, (1, 1, 2, 2), (1, 1, 2, 2), 'VALID')


def enc_block(x, p):
    x = jax.nn.relu(bn(conv2d(x, p['w1'], p['b1']), p['g1'], p['be1']))
    x = jax.nn.relu(bn(conv2d(x, p['w2'], p['b2']), p['g2'], p['be2']))
    return maxpool2(x)


def dec_block(x, p):
    x = jax.nn.relu(bn(conv2d(x, p['w1'], p['b1']), p['g1'], p['be1']))
    x = jax.nn.relu(bn(conv2d(x, p['w2'], p['b2']), p['g2'], p['be2']))
    return conv_t2(x, p['wt'], p['bt'])


def nn_concat(src, tar):
    B, C, H, W = src.shape
    s = src.reshape(B, C, -1).transpose(0, 2, 1)
    t = tar.reshape(B, C, -1).transpose(0, 2, 1)
    d2 = jnp.sum(s * s, -1)[:, :, None] + jnp.sum(t * t, -1)[:, None, :] - 2.0 * jnp.einsum('bnc,bmc->bnm', s, t)
    idx = jnp.argmin(d2, axis=2)
    nearest = jnp.take_along_axis(t, idx[:, :, None], axis=1)
    nearest = nearest.transpose(0, 2, 1).reshape(B, C, H, W)
    return jnp.concatenate([src, nearest], axis=1)


def matcher_forward(src_img, tar_img, params):
    s1 = enc_block(src_img, params['enc1'])
    s2 = enc_block(s1, params['enc2'])
    s3 = enc_block(s2, params['enc3'])
    s4 = enc_block(s3, params['enc4'])
    t1 = enc_block(tar_img, params['enc1'])
    t2 = enc_block(t1, params['enc2'])
    t3 = enc_block(t2, params['enc3'])
    t4 = enc_block(t3, params['enc4'])
    c3 = nn_concat(s3, t3)
    c4 = nn_concat(s4, t4)
    c4u = jax.image.resize(c4, (c4.shape[0], c4.shape[1], c3.shape[2], c3.shape[3]), method='bilinear')
    d = dec_block(jnp.concatenate([c3, c4u], axis=1), params['dec3'])
    d = dec_block(d, params['dec2'])
    d = conv2d(d, params['dec1']['w'], params['dec1']['b'])
    pred = jax.image.resize(d, (d.shape[0], d.shape[1], src_img.shape[2], src_img.shape[3]), method='bilinear')
    return pred


def init_params(key):
    ks = iter(jax.random.split(key, 64))

    def cw(o, i, s):
        return jax.random.normal(next(ks), (o, i, s, s), jnp.float32) * np.float32(1.0 / np.sqrt(i * s * s))

    p = {}
    for name, ci, co in [('enc1', 1, 64), ('enc2', 64, 128), ('enc3', 128, 256), ('enc4', 256, 512)]:
        p[name] = {'w1': cw(co, ci, 3), 'b1': jnp.zeros(co, jnp.float32), 'g1': jnp.ones(co, jnp.float32), 'be1': jnp.zeros(co, jnp.float32),
                   'w2': cw(co, co, 3), 'b2': jnp.zeros(co, jnp.float32), 'g2': jnp.ones(co, jnp.float32), 'be2': jnp.zeros(co, jnp.float32)}
    for name, ci, cm, co in [('dec3', 1536, 512, 256), ('dec2', 256, 128, 64)]:
        p[name] = {'w1': cw(cm, ci, 3), 'b1': jnp.zeros(cm, jnp.float32), 'g1': jnp.ones(cm, jnp.float32), 'be1': jnp.zeros(cm, jnp.float32),
                   'w2': cw(cm, cm, 3), 'b2': jnp.zeros(cm, jnp.float32), 'g2': jnp.ones(cm, jnp.float32), 'be2': jnp.zeros(cm, jnp.float32),
                   'wt': cw(co, cm, 2), 'bt': jnp.zeros(co, jnp.float32)}
    p['dec1'] = {'w': cw(1, 64, 1), 'b': jnp.zeros(1, jnp.float32)}
    return p


def setup_inputs(seed: int = 0):
    key = jax.random.key(seed)
    k1, k2, k3 = jax.random.split(key, 3)
    src_img = jax.random.normal(k1, (2, 1, 224, 224), jnp.float32)
    tar_img = jax.random.normal(k2, (2, 1, 224, 224), jnp.float32)
    params = init_params(k3)
    return {'src_img': src_img, 'tar_img': tar_img, 'params': params}


def reference(src_img, tar_img, params):
    return matcher_forward(src_img, tar_img, params)

if __name__ == "__main__":
    import jax
    _d = setup_inputs()
    print(jax.jit(kernel)(*tuple(_d.values())))

</pallas_src>

<mosaic_0001>
#map = affine_map<(d0, d1) -> (0, 0)>
#map1 = affine_map<(d0, d1) -> (0)>
module attributes {stable_mosaic.version = 14 : i64} {
  func.func @k(%arg0: i32, %arg1: i32, %arg2: memref<1552x256xf32, #tpu.memory_space<hbm>>, %arg3: memref<1792xi32, #tpu.memory_space<hbm>>, %arg4: memref<1792x256xf32, #tpu.memory_space<hbm>>, %arg5: memref<56xi32, #tpu.memory_space<vmem>>, %arg6: memref<56x256xf32, #tpu.memory_space<vmem>>, %arg7: memref<!tpu.dma_semaphore, #tpu.memory_space<semaphore_mem>>) attributes {dimension_semantics = [#tpu.dimension_semantics<core_parallel>, #tpu.dimension_semantics<subcore_parallel>], iteration_bounds = array<i64: 2, 16>, scalar_prefetch = 0 : i64, scratch_operands = 3 : i64, tpu.core_type = #tpu.core_type<sc_vector_subcore>, window_params = [{transform_indices = #map}, {transform_indices = #map1}, {transform_indices = #map}]} {
    %mul3A = arith.constant 2 : i32
    %mul3A_0 = arith.muli %arg1, %mul3A : i32
    %add3A = arith.addi %mul3A_0, %arg0 : i32
    %mul3A_1 = arith.constant 56 : i32
    %mul3A_2 = arith.muli %add3A, %mul3A_1 : i32
    "tpu.region"() ({
      %run_scoped3A = tpu.sem_alloc : memref<!tpu.dma_semaphore, #tpu.memory_space<semaphore_mem>>
      %dma_start3A_7 = tpu.memref_slice %arg3[%mul3A_2] : memref<1792xi32, #tpu.memory_space<hbm>> -> memref<56xi32, #tpu.memory_space<hbm>>
      %dma_start3A_8 = tpu.memref_slice %arg3[%mul3A_2] : memref<1792xi32, #tpu.memory_space<hbm>> -> memref<56xi32, #tpu.memory_space<hbm>>
      tpu.enqueue_dma source(%dma_start3A_8 : memref<56xi32, #tpu.memory_space<hbm>>) target(%arg5 : memref<56xi32, #tpu.memory_space<vmem>>) target_semaphore(%run_scoped3A : memref<!tpu.dma_semaphore, #tpu.memory_space<semaphore_mem>>)
      %dma_wait3A_9 = tpu.memref_slice %arg3[%mul3A_2] : memref<1792xi32, #tpu.memory_space<hbm>> -> memref<56xi32, #tpu.memory_space<hbm>>
      %dma_wait3A_10 = tpu.memref_slice %arg3[%mul3A_2] : memref<1792xi32, #tpu.memory_space<hbm>> -> memref<56xi32, #tpu.memory_space<hbm>>
      tpu.wait_dma2 semaphore(%run_scoped3A : memref<!tpu.dma_semaphore, #tpu.memory_space<semaphore_mem>>) src(%dma_wait3A_10 : memref<56xi32, #tpu.memory_space<hbm>>) dst(%arg5 : memref<56xi32, #tpu.memory_space<vmem>>)
      tpu.yield
    }) : () -> ()
    %dma_start3A = arith.constant 0 : i32
    %dma_start3A_3 = arith.constant 0 : i32
    %dma_start3A_4 = tpu.memref_slice %arg2[%dma_start3A, %dma_start3A_3] : memref<1552x256xf32, #tpu.memory_space<hbm>> -> memref<1552x256xf32, #tpu.memory_space<hbm>>
    tpu.enqueue_indirect_dma source(%dma_start3A_4 : memref<1552x256xf32, #tpu.memory_space<hbm>>) target(%arg6 : memref<56x256xf32, #tpu.memory_space<vmem>>) offsets(%arg5 : memref<56xi32, #tpu.memory_space<vmem>>) semaphore(%arg7 : memref<!tpu.dma_semaphore, #tpu.memory_space<semaphore_mem>>)
    %dma_wait3A = arith.constant 0 : i32
    %dma_wait3A_5 = arith.constant 0 : i32
    %dma_wait3A_6 = tpu.memref_slice %arg2[%dma_wait3A, %dma_wait3A_5] : memref<1552x256xf32, #tpu.memory_space<hbm>> -> memref<1552x256xf32, #tpu.memory_space<hbm>>
    tpu.wait_indirect_dma semaphore(%arg7 : memref<!tpu.dma_semaphore, #tpu.memory_space<semaphore_mem>>) src(%dma_wait3A_6 : memref<1552x256xf32, #tpu.memory_space<hbm>>) dst(%arg6 : memref<56x256xf32, #tpu.memory_space<vmem>>)
    "tpu.region"() ({
      %run_scoped3A = tpu.sem_alloc : memref<!tpu.dma_semaphore, #tpu.memory_space<semaphore_mem>>
      %dma_start3A_7 = arith.constant 0 : i32
      %dma_start3A_8 = tpu.memref_slice %arg4[%mul3A_2, %dma_start3A_7] : memref<1792x256xf32, #tpu.memory_space<hbm>> -> memref<56x256xf32, #tpu.memory_space<hbm>>
      %dma_start3A_9 = arith.constant 0 : i32
      %dma_start3A_10 = tpu.memref_slice %arg4[%mul3A_2, %dma_start3A_9] : memref<1792x256xf32, #tpu.memory_space<hbm>> -> memref<56x256xf32, #tpu.memory_space<hbm>>
      tpu.enqueue_dma source(%arg6 : memref<56x256xf32, #tpu.memory_space<vmem>>) target(%dma_start3A_10 : memref<56x256xf32, #tpu.memory_space<hbm>>) target_semaphore(%run_scoped3A : memref<!tpu.dma_semaphore, #tpu.memory_space<semaphore_mem>>)
      %dma_wait3A_11 = arith.constant 0 : i32
      %dma_wait3A_12 = tpu.memref_slice %arg4[%mul3A_2, %dma_wait3A_11] : memref<1792x256xf32, #tpu.memory_space<hbm>> -> memref<56x256xf32, #tpu.memory_space<hbm>>
      %dma_wait3A_13 = arith.constant 0 : i32
      %dma_wait3A_14 = tpu.memref_slice %arg4[%mul3A_2, %dma_wait3A_13] : memref<1792x256xf32, #tpu.memory_space<hbm>> -> memref<56x256xf32, #tpu.memory_space<hbm>>
      tpu.wait_dma2 semaphore(%run_scoped3A : memref<!tpu.dma_semaphore, #tpu.memory_space<semaphore_mem>>) src(%arg6 : memref<56x256xf32, #tpu.memory_space<vmem>>) dst(%dma_wait3A_14 : memref<56x256xf32, #tpu.memory_space<hbm>>)
      tpu.yield
    }) : () -> ()
    return
  }
}

module attributes {stable_mosaic.version = 14 : i64} {
  func.func @_nn_match_kernel(%arg0: i32, %arg1: memref<1x576x256xf32, #tpu.memory_space<vmem>>, %arg2: memref<1x576x256xf32, #tpu.memory_space<vmem>>, %arg3: memref<1x100x512xf32, #tpu.memory_space<vmem>>, %arg4: memref<1x100x512xf32, #tpu.memory_space<vmem>>, %arg5: memref<1x1x576xi32, #tpu.memory_space<vmem>>, %arg6: memref<1x1x100xi32, #tpu.memory_space<vmem>>) attributes {dimension_semantics = [#tpu.dimension_semantics<arbitrary>], iteration_bounds = array<i64: 2>, scalar_prefetch = 0 : i64, scratch_operands = 0 : i64, tpu.core_type = #tpu.core_type<tc>, window_params = [{transform_indices = @transform_0, window_bounds = array<i64: 1, 576, 256>}, {transform_indices = @transform_1, window_bounds = array<i64: 1, 576, 256>}, {transform_indices = @transform_2, window_bounds = array<i64: 1, 100, 512>}, {transform_indices = @transform_3, window_bounds = array<i64: 1, 100, 512>}, {transform_indices = @transform_4, window_bounds = array<i64: 1, 1, 576>}, {transform_indices = @transform_5, window_bounds = array<i64: 1, 1, 100>}]} {
    %get3A = arith.constant 0 : index
    %get3A_0 = arith.constant 0 : index
    %get3A_1 = arith.constant 0 : index
    %get3A_2 = vector.load %arg1[%get3A, %get3A_0, %get3A_1] : memref<1x576x256xf32, #tpu.memory_space<vmem>>, vector<1x576x256xf32>
    %get3A_3 = vector.shape_cast %get3A_2 : vector<1x576x256xf32> to vector<576x256xf32>
    %get3A_4 = arith.constant 0 : index
    %get3A_5 = arith.constant 0 : index
    %get3A_6 = arith.constant 0 : index
    %get3A_7 = vector.load %arg2[%get3A_4, %get3A_5, %get3A_6] : memref<1x576x256xf32, #tpu.memory_space<vmem>>, vector<1x576x256xf32>
    %get3A_8 = vector.shape_cast %get3A_7 : vector<1x576x256xf32> to vector<576x256xf32>
    %convert_element_type3A = arith.truncf %get3A_3 : vector<576x256xf32> to vector<576x256xbf16>
    %convert_element_type3A_9 = arith.truncf %get3A_8 : vector<576x256xf32> to vector<576x256xbf16>
    %dot_general3A = arith.constant dense<0.000000e+00> : vector<576x576xf32>
    %dot_general3A_10 = tpu.matmul %convert_element_type3A, %convert_element_type3A_9, %dot_general3A {dimension_numbers = #tpu.dot_dimension_numbers<[1], [1], [0], [0], [0, 0, 1, 0], [], []>, transpose_lhs_hint = false} : vector<576x256xbf16>, vector<576x256xbf16>, vector<576x576xf32> -> vector<576x576xf32>
    %mul3A = arith.mulf %get3A_3, %get3A_3 : vector<576x256xf32>
    %reduce_sum3A = arith.constant dense<0.000000e+00> : vector<576xf32>
    %reduce_sum3A_11 = vector.multi_reduction <add>, %mul3A, %reduce_sum3A [1] : vector<576x256xf32> to vector<576xf32>
    %broadcast_in_dim3A = vector.shape_cast %reduce_sum3A_11 : vector<576xf32> to vector<576x1xf32>
    %mul3A_12 = arith.mulf %get3A_8, %get3A_8 : vector<576x256xf32>
    %reduce_sum3A_13 = arith.constant dense<0.000000e+00> : vector<576xf32>
    %reduce_sum3A_14 = vector.multi_reduction <add>, %mul3A_12, %reduce_sum3A_13 [1] : vector<576x256xf32> to vector<576xf32>
    %broadcast_in_dim3A_15 = vector.shape_cast %reduce_sum3A_14 : vector<576xf32> to vector<576x1xf32>
    %transpose3A = tpu.transpose %broadcast_in_dim3A_15, [1, 0] : vector<576x1xf32> -> vector<1x576xf32>
    %add3A = vector.broadcast %broadcast_in_dim3A : vector<576x1xf32> to vector<576x576xf32>
    %add3A_16 = vector.broadcast %transpose3A : vector<1x576xf32> to vector<576x576xf32>
    %add3A_17 = arith.addf %add3A, %add3A_16 : vector<576x576xf32>
    %mul3A_18 = arith.constant 2.000000e+00 : f32
    %mul3A_19 = vector.broadcast %mul3A_18 : f32 to vector<576x576xf32>
    %mul3A_20 = arith.mulf %mul3A_19, %dot_general3A_10 : vector<576x576xf32>
    %sub3A = arith.subf %add3A_17, %mul3A_20 : vector<576x576xf32>
    %argmin3A = tpu.reduce_index %sub3A {axis = 1 : i32, kind = #tpu.reduction_kind<arg_min>} : vector<576x576xf32> -> vector<576xi32>
    %swap3A = arith.constant 0 : index
    %swap3A_21 = arith.constant 0 : index
    %swap3A_22 = arith.constant 0 : index
    %swap3A_23 = vector.load %arg5[%swap3A, %swap3A_21, %swap3A_22] : memref<1x1x576xi32, #tpu.memory_space<vmem>>, vector<1x1x576xi32>
    %swap3A_24 = vector.shape_cast %swap3A_23 : vector<1x1x576xi32> to vector<576xi32>
    %swap3A_25 = vector.shape_cast %argmin3A : vector<576xi32> to vector<1x1x576xi32>
    tpu.vector_store %arg5[%swap3A, %swap3A_21, %swap3A_22], %swap3A_25 {strides = array<i32>} : memref<1x1x576xi32, #tpu.memory_space<vmem>>, vector<1x1x576xi32>,
    %get3A_26 = arith.constant 0 : index
    %get3A_27 = arith.constant 0 : index
    %get3A_28 = arith.constant 0 : index
    %get3A_29 = vector.load %arg3[%get3A_26, %get3A_27, %get3A_28] : memref<1x100x512xf32, #tpu.memory_space<vmem>>, vector<1x100x512xf32>
    %get3A_30 = vector.shape_cast %get3A_29 : vector<1x100x512xf32> to vector<100x512xf32>
    %get3A_31 = arith.constant 0 : index
    %get3A_32 = arith.constant 0 : index
    %get3A_33 = arith.constant 0 : index
    %get3A_34 = vector.load %arg4[%get3A_31, %get3A_32, %get3A_33] : memref<1x100x512xf32, #tpu.memory_space<vmem>>, vector<1x100x512xf32>
    %get3A_35 = vector.shape_cast %get3A_34 : vector<1x100x512xf32> to vector<100x512xf32>
    %convert_element_type3A_36 = arith.truncf %get3A_30 : vector<100x512xf32> to vector<100x512xbf16>
    %convert_element_type3A_37 = arith.truncf %get3A_35 : vector<100x512xf32> to vector<100x512xbf16>
    %dot_general3A_38 = arith.constant dense<0.000000e+00> : vector<100x100xf32>
    %dot_general3A_39 = tpu.matmul %convert_element_type3A_36, %convert_element_type3A_37, %dot_general3A_38 {dimension_numbers = #tpu.dot_dimension_numbers<[1], [1], [0], [0], [0, 0, 1, 0], [], []>, transpose_lhs_hint = false} : vector<100x512xbf16>, vector<100x512xbf16>, vector<100x100xf32> -> vector<100x100xf32>
    %mul3A_40 = arith.mulf %get3A_30, %get3A_30 : vector<100x512xf32>
    %reduce_sum3A_41 = arith.constant dense<0.000000e+00> : vector<100xf32>
    %reduce_sum3A_42 = vector.multi_reduction <add>, %mul3A_40, %reduce_sum3A_41 [1] : vector<100x512xf32> to vector<100xf32>
    %broadcast_in_dim3A_43 = vector.shape_cast %reduce_sum3A_42 : vector<100xf32> to vector<100x1xf32>
    %mul3A_44 = arith.mulf %get3A_35, %get3A_35 : vector<100x512xf32>
    %reduce_sum3A_45 = arith.constant dense<0.000000e+00> : vector<100xf32>
    %reduce_sum3A_46 = vector.multi_reduction <add>, %mul3A_44, %reduce_sum3A_45 [1] : vector<100x512xf32> to vector<100xf32>
    %broadcast_in_dim3A_47 = vector.shape_cast %reduce_sum3A_46 : vector<100xf32> to vector<100x1xf32>
    %transpose3A_48 = tpu.transpose %broadcast_in_dim3A_47, [1, 0] : vector<100x1xf32> -> vector<1x100xf32>
    %add3A_49 = vector.broadcast %broadcast_in_dim3A_43 : vector<100x1xf32> to vector<100x100xf32>
    %add3A_50 = vector.broadcast %transpose3A_48 : vector<1x100xf32> to vector<100x100xf32>
    %add3A_51 = arith.addf %add3A_49, %add3A_50 : vector<100x100xf32>
    %mul3A_52 = arith.constant 2.000000e+00 : f32
    %mul3A_53 = vector.broadcast %mul3A_52 : f32 to vector<100x100xf32>
    %mul3A_54 = arith.mulf %mul3A_53, %dot_general3A_39 : vector<100x100xf32>
    %sub3A_55 = arith.subf %add3A_51, %mul3A_54 : vector<100x100xf32>
    %argmin3A_56 = tpu.reduce_index %sub3A_55 {axis = 1 : i32, kind = #tpu.reduction_kind<arg_min>} : vector<100x100xf32> -> vector<100xi32>
    %swap3A_57 = arith.constant 0 : index
    %swap3A_58 = arith.constant 0 : index
    %swap3A_59 = arith.constant 0 : index
    %swap3A_60 = vector.load %arg6[%swap3A_57, %swap3A_58, %swap3A_59] : memref<1x1x100xi32, #tpu.memory_space<vmem>>, vector<1x1x100xi32>
    %swap3A_61 = vector.shape_cast %swap3A_60 : vector<1x1x100xi32> to vector<100xi32>
    %swap3A_62 = vector.shape_cast %argmin3A_56 : vector<100xi32> to vector<1x1x100xi32>
    tpu.vector_store %arg6[%swap3A_57, %swap3A_58, %swap3A_59], %swap3A_62 {strides = array<i32>} : memref<1x1x100xi32, #tpu.memory_space<vmem>>, vector<1x1x100xi32>,
    return
  }
  func.func @transform_0(%arg0: i32) -> (i32, i32, i32) {
    %c0_i32 = arith.constant 0 : i32
    %c0_i32_0 = arith.constant 0 : i32
    %c0_i32_1 = arith.constant 0 : i32
    return %arg0, %c0_i32, %c0_i32_0 : i32, i32, i32
  }
  func.func @transform_1(%arg0: i32) -> (i32, i32, i32) {
    %c0_i32 = arith.constant 0 : i32
    %c0_i32_0 = arith.constant 0 : i32
    %c0_i32_1 = arith.constant 0 : i32
    return %arg0, %c0_i32, %c0_i32_0 : i32, i32, i32
  }
  func.func @transform_2(%arg0: i32) -> (i32, i32, i32) {
    %c0_i32 = arith.constant 0 : i32
    %c0_i32_0 = arith.constant 0 : i32
    %c0_i32_1 = arith.constant 0 : i32
    return %arg0, %c0_i32, %c0_i32_0 : i32, i32, i32
  }
  func.func @transform_3(%arg0: i32) -> (i32, i32, i32) {
    %c0_i32 = arith.constant 0 : i32
    %c0_i32_0 = arith.constant 0 : i32
    %c0_i32_1 = arith.constant 0 : i32
    return %arg0, %c0_i32, %c0_i32_0 : i32, i32, i32
  }
  func.func @transform_4(%arg0: i32) -> (i32, i32, i32) {
    %c0_i32 = arith.constant 0 : i32
    %c0_i32_0 = arith.constant 0 : i32
    %c0_i32_1 = arith.constant 0 : i32
    return %arg0, %c0_i32, %c0_i32_0 : i32, i32, i32
  }
  func.func @transform_5(%arg0: i32) -> (i32, i32, i32) {
    %c0_i32 = arith.constant 0 : i32
    %c0_i32_0 = arith.constant 0 : i32
    %c0_i32_1 = arith.constant 0 : i32
    return %arg0, %c0_i32, %c0_i32_0 : i32, i32, i32
  }
}

</mosaic_0001>

<sc_bundles>
// kernel: kernel.4.cloned.1.call-start
scs
__scs_entry_jumppad:
0x0: {  	(pc) =	sbr.rel $0x88, $3  }
0x1: {  	(tag) =	ssettag $0x0;
	lr =	simm.s32 $0x1  }
0x2: {  	[smem:$0x3F69] =	sst lr;
	_ =	strace $0xD0000000  }
0x3: {  	_ = 	snop  }
0x4: {  	_ = 	snop  }
0x5: {  	_ = 	snop  }
0x6: {  	_ = 	snop  }
0x7: {  	_ = 	snop  }
__scs_overlays_trampoline_lowered:
0x8: {  	[smem:$0x3F78] =	sst s0  }
0x9: {  	[smem:$0x3F79] =	sst s1  }
0xa: {  	[smem:$0x3F7A] =	sst s2  }
0xb: {  	[smem:$0x3F7B] =	sst s3  }
0xc: {  	[smem:$0x3F7C] =	sst s4  }
0xd: {  	[smem:$0x3F7D] =	sst s5  }
0xe: {  	[smem:$0x3F7E] =	sst s6  }
0xf: {  	[smem:$0x3F7F] =	sst s7  }
0x10: {  	[smem:$0x3F80] =	sst s8  }
0x11: {  	[smem:$0x3F81] =	sst s9;
	s0 =	simm.s32 @!p0 $0x0  }
0x12: {  	s1 =	sld [smem:$0x3F67];
	s0 =	simm.s32 @p0 $0x1  }
0x13: {  	[smem:$0x3F82] =	sst s0;
	s0 =	simm.s32 @!p1 $0x0  }
0x14: {  	s2 =	sld [smem:$0x3F66];
	s0 =	simm.s32 @p1 $0x1  }
0x15: {  	[smem:$0x3F83] =	sst s0;
	s0 =	simm.s32 @!p2 $0x0  }
0x16: {  	s3 =	sld [smem:$0x3FDB];
	s0 =	simm.s32 @p2 $0x1  }
0x17: {  	s4 =	simm.s32 $0x1BF5;
	[smem:$0x3F85] =	sst s0  }
0x18: {  	s0 =	sld [smem:$0x3F68];
	_ =	swait.ge [sflag:s4], $0x0  }
0x19: {  	s7 =	sld [smem:$0x3F69]  }
0x1a: {  	s8 =	sadd.s32 $0xFFFFE003, lr  }
0x1b: {  	s9 =	sadd.s32 $0xFFFFFEF7, lr;
	s5 =	simm.s32 $0xFFFFFFFF;
	p2 =	slt.u32 s8, $0xFFFFF086  }
0x1c: {  	p1 =	slt.u32 s9, $0xF7A;
	s5 =	simm.s32 @!p2 $0x0  }
0x1d: {  	s5 =	simm.s32 @p1 $0x1;
	p0 =	seq.s32 s7, s2  }
0x1e: {  	s7 =	smul.u32 @!p0 $0xF7A, s2;
	p2 =	seq.s32 @!p0 s5, $0x0  }
0x1f: {  	s9 =	smul.u32 $0xF7A, s1;
	s8 =	simm.s32 @!p0 $0x1BF5;
	p2 =	por !p2, p0  }
0x20: {  	[sflag:s8] =	ssyncset.s32 @!p0 $0xFFFFF086;
	s6 =	sadd.s32 @!p0 s3, s7;
	s7 =	simm.s32 @!p0 $0x108  }
0x21: {  	s3 =	sadd.s32 s3, s9;
	s6 =	sadd.s32 @!p0 $0x88, s6;
	s7 =	simm.s32 @p2 $0x1082  }
0x22: {  	[simem:s7], [sflag:s8] =	dma.local @!p0 [hbm:s6], $0xF7A  }
0x23: {  	s9 =	sor.u32 $0xD0000000, s2;
	s6 =	simm.s32 $0x108;
	_ =	swait.ge @!p0 [sflag:s8], $0x0  }
0x24: {  	s3 =	sadd.s32 $0x88, s3;
	s6 =	simm.s32 @!p1 $0x1082;
	[sflag:s4] =	ssyncset.s32 $0xFFFFF086  }
0x25: {  	[simem:s6], [sflag:s4] =	dma.local [hbm:s3], $0xF7A  }
0x26: {  	[smem:$0x3F69] =	sst s1;
	(tag) =	ssettag s2;
	_ =	strace s9  }
0x27: {  	s1 =	sld [smem:$0x3F79]  }
0x28: {  	s2 =	sld [smem:$0x3F7A]  }
0x29: {  	s4 =	sld [smem:$0x3F7C]  }
0x2a: {  	p0 =	seq.s32 s5, $0x0;
	s5 =	sld [smem:$0x3F7D]  }
0x2b: {  	s6 =	sld [smem:$0x3F7E]  }
0x2c: {  	s7 =	sld [smem:$0x3F7F]  }
0x2d: {  	s3 =	simm.s32 $0x108;
	s8 =	sld [smem:$0x3F80]  }
0x2e: {  	s3 =	simm.s32 @!p0 $0x1082;
	s9 =	sld [smem:$0x3F81]  }
0x2f: {  	lr =	sadd.s32 s0, s3;
	s0 =	sld [smem:$0x3F78]  }
0x30: {  	s3 =	sld [smem:$0x3F7B]  }
0x31: {  	[smem:$0x3F84] =	sst s10  }
0x32: {  	s10 =	sld [smem:$0x3F82];
	_ =	sdelay $0x3  }
0x33: {  	p0 =	seq.s32 s10, $0x1;
	s10 =	sld [smem:$0x3F84];
	_ =	sdelay $0x3  }
0x34: {  	[smem:$0x3F84] =	sst s10  }
0x35: {  	s10 =	sld [smem:$0x3F83];
	_ =	sdelay $0x3  }
0x36: {  	p1 =	seq.s32 s10, $0x1;
	s10 =	sld [smem:$0x3F84];
	_ =	sdelay $0x3  }
0x37: {  	[smem:$0x3F84] =	sst s10  }
0x38: {  	s10 =	sld [smem:$0x3F85]  }
0x39: {  	_ = 	snop;
	(pc) =	sbr.ind lr, $3  }
0x3a: {  	_ = 	snop  }
0x3b: {  	_ = 	snop  }
0x3c: {  	p2 =	seq.s32 s10, $0x1;
	s10 =	sld [smem:$0x3F84]  }
0x3d: {  	_ =	shalt  }
0x3e: {  	_ =	shalt  }
0x3f: {  	_ =	shalt  }
0x40: {  	_ =	shalt  }
0x41: {  	_ =	shalt  }
0x42: {  	_ =	shalt  }
0x43: {  	_ =	shalt  }
0x44: {  	_ =	shalt  }
0x45: {  	_ =	shalt  }
0x46: {  	_ =	shalt  }
0x47: {  	_ =	shalt  }
0x48: {  	_ =	shalt  }
0x49: {  	_ =	shalt  }
0x4a: {  	_ =	shalt  }
0x4b: {  	_ =	shalt  }
0x4c: {  	_ =	shalt  }
0x4d: {  	_ =	shalt  }
0x4e: {  	_ =	shalt  }
0x4f: {  	_ =	shalt  }
0x50: {  	_ =	shalt  }
0x51: {  	_ =	shalt  }
0x52: {  	_ =	shalt  }
0x53: {  	_ =	shalt  }
0x54: {  	_ =	shalt  }
0x55: {  	_ =	shalt  }
0x56: {  	_ =	shalt  }
0x57: {  	_ =	shalt  }
0x58: {  	_ =	shalt  }
0x59: {  	_ =	shalt  }
0x5a: {  	_ =	shalt  }
0x5b: {  	_ =	shalt  }
0x5c: {  	_ =	shalt  }
0x5d: {  	_ =	shalt  }
0x5e: {  	_ =	shalt  }
0x5f: {  	_ =	shalt  }
0x60: {  	_ =	shalt  }
0x61: {  	_ =	shalt  }
0x62: {  	_ =	shalt  }
0x63: {  	_ =	shalt  }
0x64: {  	_ =	shalt  }
0x65: {  	_ =	shalt  }
0x66: {  	_ =	shalt  }
0x67: {  	_ =	shalt  }
0x68: {  	_ =	shalt  }
0x69: {  	_ =	shalt  }
0x6a: {  	_ =	shalt  }
0x6b: {  	_ =	shalt  }
0x6c: {  	_ =	shalt  }
0x6d: {  	_ =	shalt  }
0x6e: {  	_ =	shalt  }
0x6f: {  	_ =	shalt  }
0x70: {  	_ =	shalt  }
0x71: {  	_ =	shalt  }
0x72: {  	_ =	shalt  }
0x73: {  	_ =	shalt  }
0x74: {  	_ =	shalt  }
0x75: {  	_ =	shalt  }
0x76: {  	_ =	shalt  }
0x77: {  	_ =	shalt  }
0x78: {  	_ =	shalt  }
0x79: {  	_ =	shalt  }
0x7a: {  	_ =	shalt  }
0x7b: {  	_ =	shalt  }
0x7c: {  	_ =	shalt  }
0x7d: {  	_ =	shalt  }
0x7e: {  	_ =	shalt  }
0x7f: {  	_ =	shalt  }
0x80: {  	_ =	shalt  }
0x81: {  	_ =	shalt  }
0x82: {  	_ =	shalt  }
0x83: {  	_ =	shalt  }
0x84: {  	_ =	shalt  }
0x85: {  	_ =	shalt  }
0x86: {  	_ =	shalt  }
0x87: {  	_ =	shalt  }
.Lfunc_end0:
.L_simem_size_0:
called_computation_lowered:
.L_overlay_start_0:
0x88: {  	s2 =	sld [smem:$0x3FD9]  }
0x89: {  	s3 =	sld [smem:$0x3FFE];
	_ =	sdelay $0x1  }
0x8a: {  	s1 =	srdreg.scid  }
0x8b: {  	s0 =	sand.u32 $0x1, s1  }
0x8c: {  	s16 =	sshll.u32 s0, $0xA;
	s2 =	sadd.s32 s3, s2  }
0x8d: {  	s2 =	sadd.s32 s2, s16  }
0x8e: {  	[smem:$0x3F90] =	sst s2  }
0x8f: {  	_ = 	snop  }
0x90: {  	(tm) =	ssettm $0x1  }
0x91: {  	s17 =	sld [smem:$0x3FFB];
	_ =	sdelay $0x3  }
0x92: {  	_ =	strace s17  }
0x93: {  	s2 =	sld [smem:$0x3FFC];
	_ =	sdelay $0x3  }
0x94: {  	_ =	strace s2  }
0x95: {  	s2 =	sld [smem:$0x3FFD];
	_ =	sdelay $0x3  }
0x96: {  	_ =	strace s2  }
0x97: {  	_ =	strace $0x8FFFFFFF  }
0x98: {  	s18 =	sld [smem:$0x3FDB];
	_ =	sdelay $0x1  }
0x99: {  	s19 =	simm.s32 $_scs_section_size  }
0x9a: {  	s4 =	simm.s32 $_size__tile_overlayer_lowered;
	s5 =	simm.s32 $_tile_overlayer_lowered  }
0x9b: {  	s22 =	simm.s32 $0x1BFF;
	s21 =	sshll.u32 s5, $0x1;
	s2 =	sadd.s32 s19, s18  }
0x9c: {  	s6 =	simm.s32 $0x0;
	s20 =	sshll.u32 s4, $0x1;
	s4 =	sadd.s32 s21, s2  }
0x9d: {  	[timem:s6], [sflag:s22] =	dma.local [hbm:s4], s20  }
0x9e: {  	_ =	swait.ge [sflag:s22], s20  }
0x9f: {  	s3 =	ssub.s32 $0x0, s20;
	[sflag:s22] =	ssyncset.done $0x0  }
0xa0: {  	[sflag:s22] =	ssyncadd.s32 s3;
	_ =	sdelay $0x1  }
0xa1: {  	s23 =	simm.s32 $0x1B8B  }
0xa2: {  	_ =	swait.ge [sflag:s23], $0x1  }
0xa3: {  	[sflag:s23] =	ssyncset.done $0x0  }
0xa4: {  	s25 =	simm.s32 $0x1B8E;
	s24 =	sld [smem:$0x3FFE];
	[sflag:s23] =	ssyncadd.s32 $0xFFFFFFFF  }
0xa5: {  	s26 =	simm.s32 $execute0_lowered;
	[smem:$0x3FD2] =	sst s25  }
0xa6: {  	s4 =	sshll.u32 s26, $0x1;
	_ =	strace $0x80000046;
	[dreg:$0x1] =	wrdreg $0xFFFFFFFF  }
0xa7: {  	s28 =	simm.s32 $_size_execute0_lowered;
	s2 =	sadd.s32 s2, s4;
	[dreg:$0x0] =	wrdreg $0x0  }
0xa8: {  	s4 =	sshll.u32 s28, $0x1;
	[dreg:$0x2] =	wrdreg s2  }
0xa9: {  	[dreg:$0x3] =	wrdreg s4  }
0xaa: {  	[dreg:$0x4] =	wrdreg $0xC0  }
0xab: {  	_ =	task [dreg:s6], $0x5FFFF  }
0xac: {  	[dreg:$0x1] =	wrdreg $0xFFFFFFFF  }
0xad: {  	[dreg:$0x0] =	wrdreg $0x60  }
0xae: {  	[dreg:$0x2] =	wrdreg s24  }
0xaf: {  	[dreg:$0x3] =	wrdreg $0x9  }
0xb0: {  	_ =	task.clear_ibuf [dreg:s6], $0x4FFFF;
	_ =	strace $0x90000046  }
0xb1: {  	s29 =	simm.s32 $0x9;
	_ =	strace $0x80000048  }
0xb2: {  	_ =	swait.ge [sflag:s29], $0x1  }
0xb3: {  	[sflag:s29] =	ssyncadd.s32 $0xFFFFFFFF  }
0xb4: {  	_ =	strace $0x90000048  }
0xb5: {  	_ =	sfence  }
0xb6: {  	s30 =	sld [smem:$0x0];
	_ =	sdelay $0x2  }
0xb7: {  	s31 =	sshll.u32 s1, $0xD;
	s1 =	sshrl.u32 s1, $0x2  }
0xb8: {  	s3 =	sand.u32 $0x4000, s31;
	s1 =	sadd.s32 s1, s30  }
0xb9: {  	s0 =	sor.u32 s3, s0;
	s1 =	sshll.u32 s1, $0x11  }
0xba: {  	s0 =	sor.u32 s1, s0  }
0xbb: {  	s0 =	sadd.s32 $0x8F2B, s0  }
0xbc: {  	[sflag:s0] =	ssyncadd.remote.s32 $0x1  }
0xbd: {  	_ =	sfence.sel $0xFFFF  }
0xbe: {  	[dreg:$0x0] =	wrdreg $0xFFFFFFFF;
	(pc) =	sbr.abs _section_cstart, $3  }
0xbf: {  	[dreg:$0x1] =	wrdreg $0xFFFFFFFF  }
0xc0: {  	_ =	task.clear_ibuf [dreg:s6], $0x2FFFF;
	_ =	strace $0x9FFFFFFF  }
0xc1: {  	(tm) =	ssettm $0x7FFFFFFF  }
tec
execute0_lowered:
.L_overlay_start_1:
0x0: {  	(tag) =	ssettag $0x1  }
0x1: {  	s1 =	srdreg.scid;
	s0 =	stileid.u32  }
0x2: {  	s4 =	rddreg [dreg:$0x0];
	s2 =	simm.s32 $0x0;
	s9 =	simm.s32 $0x880  }
0x3: {  	s10 =	simm.s32 $0x1080;
	s11 =	simm.s32 $0x1880;
	s12 =	simm.s32 $0x2080  }
0x4: {  	s13 =	simm.s32 $0x2880;
	s3 =	sand.u32 $0x1, s1;
	s5 =	sshll.u32 s0, $0x1  }
0x5: {  	s14 =	simm.s32 $0x3080;
	s15 =	simm.s32 $0x1;
	s5 =	sor.u32 s3, s5  }
0x6: {  	s1 =	rddreg [dreg:$0x1];
	s7 =	ssub.s32 $0x2, s3;
	s6 =	smul.u32 $0x700, s5  }
0x7: {  	[smem:$0x7FF] =	sst s2;
	s8 =	sshrl.u32 s7, $0x1;
	s5 =	smul.u32 $0x7, s5  }
0x8: {  	v2 =	vlaneseq.u32;
	_ =	strace $0x80000047;
	s3 =	sadd.s32 $0x200, s4;
	s7 =	ssub.s32 s7, s8  }
0x9: {  	vm0 =	vmmov $0xffff;
	v1 =	vshrl.u32 v2, $0x3;
	s8 =	simm.s32 $0x80;
	s6 =	sadd.s32 s6, s4;
	s4 =	sadd.s32 s4, s5  }
0xa: {  	v0 =	vand.u32 $0x7, v2;
	v2 =	vor.u32 $0x8, v2;
	v1 =	vmul.u32 $0x8, v1;
	s5 =	sadd.s32 $0xC400, s6;
	s6 =	smax.u32 s7, $0x1;
	s7 =	simm.s32 $0x2  }
.LBB2_1:
0xb: {  	[tilespmem:s2], [sflag:$0x2] =	stream.linear.gather [hbm4b:s4+s2], $0x38, $0x38;
	[tilespmem:$0x3880] =	vst v63  }
0xc: {  	_ =	swait.ge [sflag:s7], $0x38  }
0xd: {  	[sflag:s7] =	ssyncset.done $0x0  }
0xe: {  	[sflag:s7] =	ssyncadd.s32 $0xFFFFFFC8  }
0xf: {  	v3 =	vld [tilespmem:$0x0];
	_ =	sdelay $0x4  }
0x10: {  	v4 =	vshll.u32 v3, $0x1  }
0x11: {  	v3 =	vand.u32 $0x7, v3;
	v4 =	vand.u32 $0xFFFFFFF0, v4  }
0x12: {  	v3 =	vor.u32 v3, v4  }
0x13: {  	v4 =	vperm.xlane v3, v0;
	_ =	sdelay $0x1  }
0x14: {  	v3 =	vperm.xlane v3, v2;
	v4 =	vadd.s32 v1, v4;
	_ =	sdelay $0x1  }
0x15: {  	v3 =	vadd.s32 v1, v3;
	_ =	sdelay $0x2  }
0x16: {  	[tilespmem:s8], [sflag:$0x1] =	stream.indirect_vreg.gather [hbm4b:s3+s2], $0x80, v4, vm0, $0xb8;
	[tilespmem:$0x3880] =	vst v63  }
0x17: {  	_ = 	snop  }
0x18: {  	[tilespmem:s9], [sflag:$0x1] =	stream.indirect_vreg.gather [hbm4b:s3+s2], $0x80, v3, vm0, $0xb8;
	[tilespmem:$0x3880] =	vst v63  }
0x19: {  	v3 =	vld [tilespmem:$0x10];
	_ =	sdelay $0x4  }
0x1a: {  	v61 =	vshll.u32 v3, $0x1  }
0x1b: {  	v3 =	vand.u32 $0x7, v3;
	v4 =	vand.u32 $0xFFFFFFF0, v61  }
0x1c: {  	v3 =	vor.u32 v3, v4  }
0x1d: {  	v4 =	vperm.xlane v3, v0;
	_ =	sdelay $0x1  }
0x1e: {  	v3 =	vperm.xlane v3, v2;
	v4 =	vadd.s32 v1, v4;
	_ =	sdelay $0x1  }
0x1f: {  	v3 =	vadd.s32 v1, v3;
	_ =	sdelay $0x2  }
0x20: {  	[tilespmem:s10], [sflag:$0x1] =	stream.indirect_vreg.gather [hbm4b:s3+s2], $0x80, v4, vm0, $0xb8;
	[tilespmem:$0x3880] =	vst v63  }
0x21: {  	_ = 	snop  }
0x22: {  	[tilespmem:s11], [sflag:$0x1] =	stream.indirect_vreg.gather [hbm4b:s3+s2], $0x80, v3, vm0, $0xb8;
	[tilespmem:$0x3880] =	vst v63  }
0x23: {  	v3 =	vld [tilespmem:$0x20];
	_ =	sdelay $0x4  }
0x24: {  	v62 =	vshll.u32 v3, $0x1  }
0x25: {  	v3 =	vand.u32 $0x7, v3;
	v4 =	vand.u32 $0xFFFFFFF0, v62  }
0x26: {  	v3 =	vor.u32 v3, v4  }
0x27: {  	v4 =	vperm.xlane v3, v0;
	_ =	sdelay $0x1  }
0x28: {  	v3 =	vperm.xlane v3, v2;
	v4 =	vadd.s32 v1, v4;
	_ =	sdelay $0x1  }
0x29: {  	v3 =	vadd.s32 v1, v3;
	_ =	sdelay $0x2  }
0x2a: {  	[tilespmem:s12], [sflag:$0x1] =	stream.indirect_vreg.gather [hbm4b:s3+s2], $0x80, v4, vm0, $0xb8;
	[tilespmem:$0x3880] =	vst v63  }
0x2b: {  	_ = 	snop  }
0x2c: {  	[tilespmem:s13], [sflag:$0x1] =	stream.indirect_vreg.gather [hbm4b:s3+s2], $0x80, v3, vm0, $0xb8;
	[tilespmem:$0x3880] =	vst v63  }
0x2d: {  	v3 =	vld.msk [tilespmem:$0x30], $0xff;
	_ =	sdelay $0x4  }
0x2e: {  	v63 =	vshll.u32 v3, $0x1  }
0x2f: {  	v3 =	vand.u32 $0x7, v3;
	v4 =	vand.u32 $0xFFFFFFF0, v63  }
0x30: {  	v3 =	vor.u32 v3, v4  }
0x31: {  	v3 =	vperm.xlane v3, v0;
	_ =	sdelay $0x1  }
0x32: {  	v3 =	vadd.s32 v1, v3;
	_ =	sdelay $0x4  }
0x33: {  	[tilespmem:s14], [sflag:$0x1] =	stream.indirect_vreg.gather [hbm4b:s3+s2], $0x80, v3, vm0, $0xb8;
	[tilespmem:$0x3880] =	vst v63  }
0x34: {  	_ =	swait.ge [sflag:s15], $0x3800  }
0x35: {  	p0 =	sne.s32 s6, $0x1;
	[sflag:s15] =	ssyncset.done $0x0  }
.Ltmp0:
0x36: {  	[sflag:s15] =	ssyncadd.s32 $0xFFFFC800;
	(pc) =	sbr.rel @p0 .LBB2_1-.Ltmp0, $4  }
0x37: {  	[hbm4b:s5+s2] =	stream.linear.scatter [tilespmem:s8], [sflag:$0x2], $0x3800, $0x38;
	[tilespmem:$0x3880] =	vst v63  }
0x38: {  	_ =	swait.ge [sflag:s7], $0x3800  }
0x39: {  	[sflag:s7] =	ssyncset.done $0x0  }
0x3a: {  	s6 =	sadd.s32 $0xFFFFFFFF, s6;
	[sflag:s7] =	ssyncadd.s32 $0xFFFFC800  }
0x3b: {  	_ =	sfence.sel $0x180000  }
0x3c: {  	[bflag:$0x0] =	sbarrier.arrive $0xFFFF  }
0x3d: {  	p0 =	sne.s32 s0, $0x0;
	_ =	strace $0x90000047  }
0x3e: {  	s0 =	sadd.s32 @!p0 $0x100000, s1;
	[bflag:$0x2] =	sbarrier.arrive $0xFFFF  }
0x3f: {  	[sflag:s0] =	ssyncadd.tile.s32 @!p0 $0x1;
	_ =	shalt  }
.Lfunc_end2:
_tile_overlayer_lowered:
.L_overlay_start_2:
0x40: {  	(tag) =	ssettag $0x2  }
0x41: {  	s0 =	rddreg [dreg:$0x0];
	s2 =	stileid.u32  }
0x42: {  	s1 =	rddreg [dreg:$0x1];
	p0 =	sne.s32 s2, $0x0  }
0x43: {  	s3 =	rddreg [dreg:$0x2];
	[bflag:$0x3] =	sbarrier.arrive $0xFFFF;
	s2 =	simm.s32 @!p0 $0x1C02  }
0x44: {  	[timem:s3], [sflag:s2] =	dma.local @!p0 [hbm:s0], s1  }
0x45: {  	s0 =	simm.s32 @!p0 $0x2  }
0x46: {  	_ =	swait.ge @!p0 [sflag:s0], s1  }
0x47: {  	s1 =	ssub.s32 @!p0 $0x0, s1;
	[sflag:s0] =	ssyncset.done @!p0 $0x0  }
0x48: {  	[sflag:s0] =	ssyncadd.s32 @!p0 s1  }
0x49: {  	[bflag:$0x3] =	sbarrier.arrive $0xFFFF  }
0x4a: {  	_ =	shalt  }

</sc_bundles>
